<compile_context>
chip_gen: v7x
topology: tpu7x:2x2x1
jax: 0.10.2.dev20260603
libtpu: 0.0.44.dev20260713+nightly
codegen_flags: <defaults>
</compile_context>

<pallas_src>
import functools

import jax
import jax.numpy as jnp
from jax import lax
from jax.experimental import pallas as pl
from jax.experimental.pallas import tpu as pltpu
from jax.experimental.pallas import tpu_sc as plsc

_L = 16
_NS = 16
_ROWS = 2
_K = 3
_COLS = 1024
_W = _ROWS * _COLS // _NS
_NNZ = 4

_mesh = plsc.VectorSubcoreMesh(
    core_axis_name="c", subcore_axis_name="s", num_cores=1
)


@functools.partial(
    pl.kernel,
    out_type=jax.ShapeDtypeStruct((_ROWS * _COLS,), jnp.float32),
    mesh=_mesh,
    scratch_types=[
        pltpu.VMEM((_L,), jnp.int32),
        pltpu.VMEM((_L,), jnp.float32),
        pltpu.VMEM((_K, _W), jnp.float32),
        pltpu.VMEM((_W,), jnp.float32),
        pltpu.SemaphoreType.DMA,
    ],
)
def _coo_spmm(xind_hbm, xval_hbm, y_hbm, out_hbm, ind_v, val_v, y_v, o_v, sem):
    wid = lax.axis_index("s")
    base = wid * _W
    col = base % _COLS
    row = base // _COLS

    cps = [
        pltpu.async_copy(y_hbm.at[:, pl.ds(col, _W)], y_v, sem),
        pltpu.async_copy(xind_hbm, ind_v.at[pl.ds(0, 2 * _NNZ)], sem),
        pltpu.async_copy(xval_hbm, val_v.at[pl.ds(0, _NNZ)], sem),
    ]
    for cp in cps:
        cp.wait()

    zero = jnp.float32(0.0)
    ind_vec = ind_v[...]
    vals_vec = val_v[...]
    coef = [[zero] * _K for _ in range(_ROWS)]
    for j in range(_NNZ):
        r = ind_vec[j]
        c = ind_vec[_NNZ + j]
        v = vals_vec[j]
        for i in range(_ROWS):
            for k in range(_K):
                coef[i][k] = coef[i][k] + jnp.where(
                    (r == i) & (c == k), v, zero
                )
    ck = [jnp.where(row == 0, coef[0][k], coef[1][k]) for k in range(_K)]

    for c0 in range(0, _W, _L):
        acc = ck[0] * y_v[0, pl.ds(c0, _L)]
        acc = acc + ck[1] * y_v[1, pl.ds(c0, _L)]
        acc = acc + ck[2] * y_v[2, pl.ds(c0, _L)]
        o_v[pl.ds(c0, _L)] = acc

    pltpu.async_copy(o_v, out_hbm.at[pl.ds(base, _W)], sem).wait()


def kernel(xind, xval, y):
    out_flat = _coo_spmm(xind.reshape(2 * _NNZ), xval, y)
    return out_flat.reshape(_ROWS, _COLS)

# --- scband reference (transcript-rebuilt; emitter-appended) ---
"""Pipeline reference for scband-m-11879879543770 (READ-ONLY COPY).

The authoritative reference and input builder live on the scoring server;
editing this copy changes nothing except your own understanding.
"""

import jax, jax.numpy as jnp
import numpy as np

XIND = np.array([[0, 0, 1, 1], [0, 2, 1, 2]], dtype=np.int32)
XVAL = np.array([0.5, -1.25, 2.0, 0.75], dtype=np.float32)


def setup_inputs(seed: int = 0) -> dict:
    key = jax.random.key(seed)
    y = jax.random.normal(key, (3, 1024), dtype=jnp.float32)
    return {
        "xind": jnp.asarray(XIND),
        "xval": jnp.asarray(XVAL),
        "y": y,
    }


def reference(xind, xval, y):
    # torch.sparse_coo_tensor(xind, xval, (2, 3)) densified via scatter-add
    # (COO semantics: duplicate indices are summed), then torch.mm(x, y).
    x = jnp.zeros((2, 3), dtype=xval.dtype).at[xind[0], xind[1]].add(xval)
    return x @ y

if __name__ == "__main__":
    import jax
    _d = setup_inputs()
    print(jax.jit(kernel)(*tuple(_d.values())))

</pallas_src>

<mosaic_0001>
#map = affine_map<(d0, d1) -> (0)>
#map1 = affine_map<(d0, d1) -> (0, 0)>
module attributes {stable_mosaic.version = 14 : i64} {
  func.func @_coo_spmm(%arg0: i32, %arg1: i32, %arg2: memref<8xi32, #tpu.memory_space<hbm>>, %arg3: memref<4xf32, #tpu.memory_space<hbm>>, %arg4: memref<3x1024xf32, #tpu.memory_space<hbm>>, %arg5: memref<2048xf32, #tpu.memory_space<hbm>>, %arg6: memref<16xi32, #tpu.memory_space<vmem>>, %arg7: memref<16xf32, #tpu.memory_space<vmem>>, %arg8: memref<3x128xf32, #tpu.memory_space<vmem>>, %arg9: memref<128xf32, #tpu.memory_space<vmem>>, %arg10: memref<!tpu.dma_semaphore, #tpu.memory_space<semaphore_mem>>) attributes {dimension_semantics = [#tpu.dimension_semantics<core_parallel>, #tpu.dimension_semantics<subcore_parallel>], iteration_bounds = array<i64: 1, 16>, scalar_prefetch = 0 : i64, scratch_operands = 5 : i64, tpu.core_type = #tpu.core_type<sc_vector_subcore>, window_params = [{transform_indices = #map}, {transform_indices = #map}, {transform_indices = #map1}, {transform_indices = #map}]} {
    %mul3A = arith.constant 128 : i32
    %mul3A_0 = arith.muli %arg1, %mul3A : i32
    %jit3A = arith.constant 1024 : i32
    %eq3A = arith.constant 0 : i32
    %eq3A_1 = arith.cmpi eq, %jit3A, %eq3A : i32
    %jit3A_2 = arith.constant 1 : i32
    %select_n3A = arith.select %eq3A_1, %jit3A_2, %jit3A : i32
    %rem3A = arith.remsi %mul3A_0, %select_n3A : i32
    %ne3A = arith.constant 0 : i32
    %ne3A_3 = arith.cmpi ne, %rem3A, %ne3A : i32
    %lt3A = arith.constant 0 : i32
    %lt3A_4 = arith.cmpi slt, %rem3A, %lt3A : i32
    %lt3A_5 = arith.constant 0 : i32
    %lt3A_6 = arith.cmpi slt, %select_n3A, %lt3A_5 : i32
    %ne3A_7 = arith.xori %lt3A_4, %lt3A_6 : i1
    %and3A = arith.andi %ne3A_7, %ne3A_3 : i1
    %add3A = arith.addi %rem3A, %select_n3A : i32
    %select_n3A_8 = arith.select %and3A, %add3A, %rem3A : i32
    %jit3A_9 = arith.constant 1024 : i32
    %div3A = arith.divsi %mul3A_0, %jit3A_9 : i32
    %sign3A = arith.constant 0 : i32
    %sign3A_10 = arith.cmpi sgt, %mul3A_0, %sign3A : i32
    %sign3A_11 = arith.extui %sign3A_10 : i1 to i32
    %sign3A_12 = arith.constant 0 : i32
    %sign3A_13 = arith.cmpi slt, %mul3A_0, %sign3A_12 : i32
    %sign3A_14 = arith.extui %sign3A_13 : i1 to i32
    %sign3A_15 = arith.subi %sign3A_11, %sign3A_14 : i32
    %sign3A_16 = arith.constant 0 : i32
    %sign3A_17 = arith.cmpi sgt, %jit3A_9, %sign3A_16 : i32
    %sign3A_18 = arith.extui %sign3A_17 : i1 to i32
    %sign3A_19 = arith.constant 0 : i32
    %sign3A_20 = arith.cmpi slt, %jit3A_9, %sign3A_19 : i32
    %sign3A_21 = arith.extui %sign3A_20 : i1 to i32
    %sign3A_22 = arith.subi %sign3A_18, %sign3A_21 : i32
    %ne3A_23 = arith.cmpi ne, %sign3A_15, %sign3A_22 : i32
    %rem3A_24 = arith.remsi %mul3A_0, %jit3A_9 : i32
    %ne3A_25 = arith.constant 0 : i32
    %ne3A_26 = arith.cmpi ne, %rem3A_24, %ne3A_25 : i32
    %and3A_27 = arith.andi %ne3A_23, %ne3A_26 : i1
    %sub3A = arith.constant 1 : i32
    %sub3A_28 = arith.subi %div3A, %sub3A : i32
    %select_n3A_29 = arith.select %and3A_27, %sub3A_28, %div3A : i32
    %dma_start3A = arith.constant 0 : i32
    %dma_start3A_30 = tpu.memref_slice %arg4[%dma_start3A, %select_n3A_8] : memref<3x1024xf32, #tpu.memory_space<hbm>> -> memref<3x128xf32, #tpu.memory_space<hbm>>
    %dma_start3A_31 = arith.constant 0 : i32
    %dma_start3A_32 = tpu.memref_slice %arg4[%dma_start3A_31, %select_n3A_8] : memref<3x1024xf32, #tpu.memory_space<hbm>> -> memref<3x128xf32, #tpu.memory_space<hbm>>
    tpu.enqueue_dma source(%dma_start3A_32 : memref<3x128xf32, #tpu.memory_space<hbm>>) target(%arg8 : memref<3x128xf32, #tpu.memory_space<vmem>>) target_semaphore(%arg10 : memref<!tpu.dma_semaphore, #tpu.memory_space<semaphore_mem>>)
    %dma_start3A_33 = arith.constant 0 : i32
    %dma_start3A_34 = tpu.memref_slice %arg6[%dma_start3A_33] : memref<16xi32, #tpu.memory_space<vmem>> -> memref<8xi32, #tpu.memory_space<vmem>>
    %dma_start3A_35 = arith.constant 0 : i32
    %dma_start3A_36 = tpu.memref_slice %arg6[%dma_start3A_35] : memref<16xi32, #tpu.memory_space<vmem>> -> memref<8xi32, #tpu.memory_space<vmem>>
    tpu.enqueue_dma source(%arg2 : memref<8xi32, #tpu.memory_space<hbm>>) target(%dma_start3A_36 : memref<8xi32, #tpu.memory_space<vmem>>) target_semaphore(%arg10 : memref<!tpu.dma_semaphore, #tpu.memory_space<semaphore_mem>>)
    %dma_start3A_37 = arith.constant 0 : i32
    %dma_start3A_38 = tpu.memref_slice %arg7[%dma_start3A_37] : memref<16xf32, #tpu.memory_space<vmem>> -> memref<4xf32, #tpu.memory_space<vmem>>
    %dma_start3A_39 = arith.constant 0 : i32
    %dma_start3A_40 = tpu.memref_slice %arg7[%dma_start3A_39] : memref<16xf32, #tpu.memory_space<vmem>> -> memref<4xf32, #tpu.memory_space<vmem>>
    tpu.enqueue_dma source(%arg3 : memref<4xf32, #tpu.memory_space<hbm>>) target(%dma_start3A_40 : memref<4xf32, #tpu.memory_space<vmem>>) target_semaphore(%arg10 : memref<!tpu.dma_semaphore, #tpu.memory_space<semaphore_mem>>)
    %dma_wait3A = arith.constant 0 : i32
    %dma_wait3A_41 = tpu.memref_slice %arg4[%dma_wait3A, %select_n3A_8] : memref<3x1024xf32, #tpu.memory_space<hbm>> -> memref<3x128xf32, #tpu.memory_space<hbm>>
    %dma_wait3A_42 = arith.constant 0 : i32
    %dma_wait3A_43 = tpu.memref_slice %arg4[%dma_wait3A_42, %select_n3A_8] : memref<3x1024xf32, #tpu.memory_space<hbm>> -> memref<3x128xf32, #tpu.memory_space<hbm>>
    tpu.wait_dma2 semaphore(%arg10 : memref<!tpu.dma_semaphore, #tpu.memory_space<semaphore_mem>>) src(%dma_wait3A_43 : memref<3x128xf32, #tpu.memory_space<hbm>>) dst(%arg8 : memref<3x128xf32, #tpu.memory_space<vmem>>)
    %dma_wait3A_44 = arith.constant 0 : i32
    %dma_wait3A_45 = tpu.memref_slice %arg6[%dma_wait3A_44] : memref<16xi32, #tpu.memory_space<vmem>> -> memref<8xi32, #tpu.memory_space<vmem>>
    %dma_wait3A_46 = arith.constant 0 : i32
    %dma_wait3A_47 = tpu.memref_slice %arg6[%dma_wait3A_46] : memref<16xi32, #tpu.memory_space<vmem>> -> memref<8xi32, #tpu.memory_space<vmem>>
    tpu.wait_dma2 semaphore(%arg10 : memref<!tpu.dma_semaphore, #tpu.memory_space<semaphore_mem>>) src(%arg2 : memref<8xi32, #tpu.memory_space<hbm>>) dst(%dma_wait3A_47 : memref<8xi32, #tpu.memory_space<vmem>>)
    %dma_wait3A_48 = arith.constant 0 : i32
    %dma_wait3A_49 = tpu.memref_slice %arg7[%dma_wait3A_48] : memref<16xf32, #tpu.memory_space<vmem>> -> memref<4xf32, #tpu.memory_space<vmem>>
    %dma_wait3A_50 = arith.constant 0 : i32
    %dma_wait3A_51 = tpu.memref_slice %arg7[%dma_wait3A_50] : memref<16xf32, #tpu.memory_space<vmem>> -> memref<4xf32, #tpu.memory_space<vmem>>
    tpu.wait_dma2 semaphore(%arg10 : memref<!tpu.dma_semaphore, #tpu.memory_space<semaphore_mem>>) src(%arg3 : memref<4xf32, #tpu.memory_space<hbm>>) dst(%dma_wait3A_51 : memref<4xf32, #tpu.memory_space<vmem>>)
    %get3A = arith.constant 0 : index
    %get3A_52 = tpu.vector_load %arg6[%get3A] {strides = array<i32>} : memref<16xi32, #tpu.memory_space<vmem>>, vector<16xi32>,
    %get3A_53 = vector.shape_cast %get3A_52 : vector<16xi32> to vector<16xi32>
    %get3A_54 = arith.constant 0 : index
    %get3A_55 = tpu.vector_load %arg7[%get3A_54] {strides = array<i32>} : memref<16xf32, #tpu.memory_space<vmem>>, vector<16xf32>,
    %get3A_56 = vector.shape_cast %get3A_55 : vector<16xf32> to vector<16xf32>
    %slice3A = vector.extract_strided_slice %get3A_53 {offsets = [0], sizes = [1], strides = [1]} : vector<16xi32> to vector<1xi32>
    %squeeze3A = vector.extract %slice3A[0] : i32 from vector<1xi32>
    %slice3A_57 = vector.extract_strided_slice %get3A_53 {offsets = [4], sizes = [1], strides = [1]} : vector<16xi32> to vector<1xi32>
    %squeeze3A_58 = vector.extract %slice3A_57[0] : i32 from vector<1xi32>
    %slice3A_59 = vector.extract_strided_slice %get3A_56 {offsets = [0], sizes = [1], strides = [1]} : vector<16xf32> to vector<1xf32>
    %squeeze3A_60 = vector.extract %slice3A_59[0] : f32 from vector<1xf32>
    %eq3A_61 = arith.constant 0 : i32
    %eq3A_62 = arith.cmpi eq, %squeeze3A, %eq3A_61 : i32
    %eq3A_63 = arith.constant 0 : i32
    %eq3A_64 = arith.cmpi eq, %squeeze3A_58, %eq3A_63 : i32
    %and3A_65 = arith.andi %eq3A_62, %eq3A_64 : i1
    %jit3A_66 = arith.constant 0.000000e+00 : f32
    %select_n3A_67 = arith.select %and3A_65, %squeeze3A_60, %jit3A_66 : f32
    %add3A_68 = arith.constant 0.000000e+00 : f32
    %add3A_69 = arith.addf %add3A_68, %select_n3A_67 : f32
    %eq3A_70 = arith.constant 0 : i32
    %eq3A_71 = arith.cmpi eq, %squeeze3A, %eq3A_70 : i32
    %eq3A_72 = arith.constant 1 : i32
    %eq3A_73 = arith.cmpi eq, %squeeze3A_58, %eq3A_72 : i32
    %and3A_74 = arith.andi %eq3A_71, %eq3A_73 : i1
    %jit3A_75 = arith.constant 0.000000e+00 : f32
    %select_n3A_76 = arith.select %and3A_74, %squeeze3A_60, %jit3A_75 : f32
    %add3A_77 = arith.constant 0.000000e+00 : f32
    %add3A_78 = arith.addf %add3A_77, %select_n3A_76 : f32
    %eq3A_79 = arith.constant 0 : i32
    %eq3A_80 = arith.cmpi eq, %squeeze3A, %eq3A_79 : i32
    %eq3A_81 = arith.constant 2 : i32
    %eq3A_82 = arith.cmpi eq, %squeeze3A_58, %eq3A_81 : i32
    %and3A_83 = arith.andi %eq3A_80, %eq3A_82 : i1
    %jit3A_84 = arith.constant 0.000000e+00 : f32
    %select_n3A_85 = arith.select %and3A_83, %squeeze3A_60, %jit3A_84 : f32
    %add3A_86 = arith.constant 0.000000e+00 : f32
    %add3A_87 = arith.addf %add3A_86, %select_n3A_85 : f32
    %eq3A_88 = arith.constant 1 : i32
    %eq3A_89 = arith.cmpi eq, %squeeze3A, %eq3A_88 : i32
    %eq3A_90 = arith.constant 0 : i32
    %eq3A_91 = arith.cmpi eq, %squeeze3A_58, %eq3A_90 : i32
    %and3A_92 = arith.andi %eq3A_89, %eq3A_91 : i1
    %jit3A_93 = arith.constant 0.000000e+00 : f32
    %select_n3A_94 = arith.select %and3A_92, %squeeze3A_60, %jit3A_93 : f32
    %add3A_95 = arith.constant 0.000000e+00 : f32
    %add3A_96 = arith.addf %add3A_95, %select_n3A_94 : f32
    %eq3A_97 = arith.constant 1 : i32
    %eq3A_98 = arith.cmpi eq, %squeeze3A, %eq3A_97 : i32
    %eq3A_99 = arith.constant 1 : i32
    %eq3A_100 = arith.cmpi eq, %squeeze3A_58, %eq3A_99 : i32
    %and3A_101 = arith.andi %eq3A_98, %eq3A_100 : i1
    %jit3A_102 = arith.constant 0.000000e+00 : f32
    %select_n3A_103 = arith.select %and3A_101, %squeeze3A_60, %jit3A_102 : f32
    %add3A_104 = arith.constant 0.000000e+00 : f32
    %add3A_105 = arith.addf %add3A_104, %select_n3A_103 : f32
    %eq3A_106 = arith.constant 1 : i32
    %eq3A_107 = arith.cmpi eq, %squeeze3A, %eq3A_106 : i32
    %eq3A_108 = arith.constant 2 : i32
    %eq3A_109 = arith.cmpi eq, %squeeze3A_58, %eq3A_108 : i32
    %and3A_110 = arith.andi %eq3A_107, %eq3A_109 : i1
    %jit3A_111 = arith.constant 0.000000e+00 : f32
    %select_n3A_112 = arith.select %and3A_110, %squeeze3A_60, %jit3A_111 : f32
    %add3A_113 = arith.constant 0.000000e+00 : f32
    %add3A_114 = arith.addf %add3A_113, %select_n3A_112 : f32
    %slice3A_115 = vector.extract_strided_slice %get3A_53 {offsets = [1], sizes = [1], strides = [1]} : vector<16xi32> to vector<1xi32>
    %squeeze3A_116 = vector.extract %slice3A_115[0] : i32 from vector<1xi32>
    %slice3A_117 = vector.extract_strided_slice %get3A_53 {offsets = [5], sizes = [1], strides = [1]} : vector<16xi32> to vector<1xi32>
    %squeeze3A_118 = vector.extract %slice3A_117[0] : i32 from vector<1xi32>
    %slice3A_119 = vector.extract_strided_slice %get3A_56 {offsets = [1], sizes = [1], strides = [1]} : vector<16xf32> to vector<1xf32>
    %squeeze3A_120 = vector.extract %slice3A_119[0] : f32 from vector<1xf32>
    %eq3A_121 = arith.constant 0 : i32
    %eq3A_122 = arith.cmpi eq, %squeeze3A_116, %eq3A_121 : i32
    %eq3A_123 = arith.constant 0 : i32
    %eq3A_124 = arith.cmpi eq, %squeeze3A_118, %eq3A_123 : i32
    %and3A_125 = arith.andi %eq3A_122, %eq3A_124 : i1
    %jit3A_126 = arith.constant 0.000000e+00 : f32
    %select_n3A_127 = arith.select %and3A_125, %squeeze3A_120, %jit3A_126 : f32
    %add3A_128 = arith.addf %add3A_69, %select_n3A_127 : f32
    %eq3A_129 = arith.constant 0 : i32
    %eq3A_130 = arith.cmpi eq, %squeeze3A_116, %eq3A_129 : i32
    %eq3A_131 = arith.constant 1 : i32
    %eq3A_132 = arith.cmpi eq, %squeeze3A_118, %eq3A_131 : i32
    %and3A_133 = arith.andi %eq3A_130, %eq3A_132 : i1
    %jit3A_134 = arith.constant 0.000000e+00 : f32
    %select_n3A_135 = arith.select %and3A_133, %squeeze3A_120, %jit3A_134 : f32
    %add3A_136 = arith.addf %add3A_78, %select_n3A_135 : f32
    %eq3A_137 = arith.constant 0 : i32
    %eq3A_138 = arith.cmpi eq, %squeeze3A_116, %eq3A_137 : i32
    %eq3A_139 = arith.constant 2 : i32
    %eq3A_140 = arith.cmpi eq, %squeeze3A_118, %eq3A_139 : i32
    %and3A_141 = arith.andi %eq3A_138, %eq3A_140 : i1
    %jit3A_142 = arith.constant 0.000000e+00 : f32
    %select_n3A_143 = arith.select %and3A_141, %squeeze3A_120, %jit3A_142 : f32
    %add3A_144 = arith.addf %add3A_87, %select_n3A_143 : f32
    %eq3A_145 = arith.constant 1 : i32
    %eq3A_146 = arith.cmpi eq, %squeeze3A_116, %eq3A_145 : i32
    %eq3A_147 = arith.constant 0 : i32
    %eq3A_148 = arith.cmpi eq, %squeeze3A_118, %eq3A_147 : i32
    %and3A_149 = arith.andi %eq3A_146, %eq3A_148 : i1
    %jit3A_150 = arith.constant 0.000000e+00 : f32
    %select_n3A_151 = arith.select %and3A_149, %squeeze3A_120, %jit3A_150 : f32
    %add3A_152 = arith.addf %add3A_96, %select_n3A_151 : f32
    %eq3A_153 = arith.constant 1 : i32
    %eq3A_154 = arith.cmpi eq, %squeeze3A_116, %eq3A_153 : i32
    %eq3A_155 = arith.constant 1 : i32
    %eq3A_156 = arith.cmpi eq, %squeeze3A_118, %eq3A_155 : i32
    %and3A_157 = arith.andi %eq3A_154, %eq3A_156 : i1
    %jit3A_158 = arith.constant 0.000000e+00 : f32
    %select_n3A_159 = arith.select %and3A_157, %squeeze3A_120, %jit3A_158 : f32
    %add3A_160 = arith.addf %add3A_105, %select_n3A_159 : f32
    %eq3A_161 = arith.constant 1 : i32
    %eq3A_162 = arith.cmpi eq, %squeeze3A_116, %eq3A_161 : i32
    %eq3A_163 = arith.constant 2 : i32
    %eq3A_164 = arith.cmpi eq, %squeeze3A_118, %eq3A_163 : i32
    %and3A_165 = arith.andi %eq3A_162, %eq3A_164 : i1
    %jit3A_166 = arith.constant 0.000000e+00 : f32
    %select_n3A_167 = arith.select %and3A_165, %squeeze3A_120, %jit3A_166 : f32
    %add3A_168 = arith.addf %add3A_114, %select_n3A_167 : f32
    %slice3A_169 = vector.extract_strided_slice %get3A_53 {offsets = [2], sizes = [1], strides = [1]} : vector<16xi32> to vector<1xi32>
    %squeeze3A_170 = vector.extract %slice3A_169[0] : i32 from vector<1xi32>
    %slice3A_171 = vector.extract_strided_slice %get3A_53 {offsets = [6], sizes = [1], strides = [1]} : vector<16xi32> to vector<1xi32>
    %squeeze3A_172 = vector.extract %slice3A_171[0] : i32 from vector<1xi32>
    %slice3A_173 = vector.extract_strided_slice %get3A_56 {offsets = [2], sizes = [1], strides = [1]} : vector<16xf32> to vector<1xf32>
    %squeeze3A_174 = vector.extract %slice3A_173[0] : f32 from vector<1xf32>
    %eq3A_175 = arith.constant 0 : i32
    %eq3A_176 = arith.cmpi eq, %squeeze3A_170, %eq3A_175 : i32
    %eq3A_177 = arith.constant 0 : i32
    %eq3A_178 = arith.cmpi eq, %squeeze3A_172, %eq3A_177 : i32
    %and3A_179 = arith.andi %eq3A_176, %eq3A_178 : i1
    %jit3A_180 = arith.constant 0.000000e+00 : f32
    %select_n3A_181 = arith.select %and3A_179, %squeeze3A_174, %jit3A_180 : f32
    %add3A_182 = arith.addf %add3A_128, %select_n3A_181 : f32
    %eq3A_183 = arith.constant 0 : i32
    %eq3A_184 = arith.cmpi eq, %squeeze3A_170, %eq3A_183 : i32
    %eq3A_185 = arith.constant 1 : i32
    %eq3A_186 = arith.cmpi eq, %squeeze3A_172, %eq3A_185 : i32
    %and3A_187 = arith.andi %eq3A_184, %eq3A_186 : i1
    %jit3A_188 = arith.constant 0.000000e+00 : f32
    %select_n3A_189 = arith.select %and3A_187, %squeeze3A_174, %jit3A_188 : f32
    %add3A_190 = arith.addf %add3A_136, %select_n3A_189 : f32
    %eq3A_191 = arith.constant 0 : i32
    %eq3A_192 = arith.cmpi eq, %squeeze3A_170, %eq3A_191 : i32
    %eq3A_193 = arith.constant 2 : i32
    %eq3A_194 = arith.cmpi eq, %squeeze3A_172, %eq3A_193 : i32
    %and3A_195 = arith.andi %eq3A_192, %eq3A_194 : i1
    %jit3A_196 = arith.constant 0.000000e+00 : f32
    %select_n3A_197 = arith.select %and3A_195, %squeeze3A_174, %jit3A_196 : f32
    %add3A_198 = arith.addf %add3A_144, %select_n3A_197 : f32
    %eq3A_199 = arith.constant 1 : i32
    %eq3A_200 = arith.cmpi eq, %squeeze3A_170, %eq3A_199 : i32
    %eq3A_201 = arith.constant 0 : i32
    %eq3A_202 = arith.cmpi eq, %squeeze3A_172, %eq3A_201 : i32
    %and3A_203 = arith.andi %eq3A_200, %eq3A_202 : i1
    %jit3A_204 = arith.constant 0.000000e+00 : f32
    %select_n3A_205 = arith.select %and3A_203, %squeeze3A_174, %jit3A_204 : f32
    %add3A_206 = arith.addf %add3A_152, %select_n3A_205 : f32
    %eq3A_207 = arith.constant 1 : i32
    %eq3A_208 = arith.cmpi eq, %squeeze3A_170, %eq3A_207 : i32
    %eq3A_209 = arith.constant 1 : i32
    %eq3A_210 = arith.cmpi eq, %squeeze3A_172, %eq3A_209 : i32
    %and3A_211 = arith.andi %eq3A_208, %eq3A_210 : i1
    %jit3A_212 = arith.constant 0.000000e+00 : f32
    %select_n3A_213 = arith.select %and3A_211, %squeeze3A_174, %jit3A_212 : f32
    %add3A_214 = arith.addf %add3A_160, %select_n3A_213 : f32
    %eq3A_215 = arith.constant 1 : i32
    %eq3A_216 = arith.cmpi eq, %squeeze3A_170, %eq3A_215 : i32
    %eq3A_217 = arith.constant 2 : i32
    %eq3A_218 = arith.cmpi eq, %squeeze3A_172, %eq3A_217 : i32
    %and3A_219 = arith.andi %eq3A_216, %eq3A_218 : i1
    %jit3A_220 = arith.constant 0.000000e+00 : f32
    %select_n3A_221 = arith.select %and3A_219, %squeeze3A_174, %jit3A_220 : f32
    %add3A_222 = arith.addf %add3A_168, %select_n3A_221 : f32
    %slice3A_223 = vector.extract_strided_slice %get3A_53 {offsets = [3], sizes = [1], strides = [1]} : vector<16xi32> to vector<1xi32>
    %squeeze3A_224 = vector.extract %slice3A_223[0] : i32 from vector<1xi32>
    %slice3A_225 = vector.extract_strided_slice %get3A_53 {offsets = [7], sizes = [1], strides = [1]} : vector<16xi32> to vector<1xi32>
    %squeeze3A_226 = vector.extract %slice3A_225[0] : i32 from vector<1xi32>
    %slice3A_227 = vector.extract_strided_slice %get3A_56 {offsets = [3], sizes = [1], strides = [1]} : vector<16xf32> to vector<1xf32>
    %squeeze3A_228 = vector.extract %slice3A_227[0] : f32 from vector<1xf32>
    %eq3A_229 = arith.constant 0 : i32
    %eq3A_230 = arith.cmpi eq, %squeeze3A_224, %eq3A_229 : i32
    %eq3A_231 = arith.constant 0 : i32
    %eq3A_232 = arith.cmpi eq, %squeeze3A_226, %eq3A_231 : i32
    %and3A_233 = arith.andi %eq3A_230, %eq3A_232 : i1
    %jit3A_234 = arith.constant 0.000000e+00 : f32
    %select_n3A_235 = arith.select %and3A_233, %squeeze3A_228, %jit3A_234 : f32
    %add3A_236 = arith.addf %add3A_182, %select_n3A_235 : f32
    %eq3A_237 = arith.constant 0 : i32
    %eq3A_238 = arith.cmpi eq, %squeeze3A_224, %eq3A_237 : i32
    %eq3A_239 = arith.constant 1 : i32
    %eq3A_240 = arith.cmpi eq, %squeeze3A_226, %eq3A_239 : i32
    %and3A_241 = arith.andi %eq3A_238, %eq3A_240 : i1
    %jit3A_242 = arith.constant 0.000000e+00 : f32
    %select_n3A_243 = arith.select %and3A_241, %squeeze3A_228, %jit3A_242 : f32
    %add3A_244 = arith.addf %add3A_190, %select_n3A_243 : f32
    %eq3A_245 = arith.constant 0 : i32
    %eq3A_246 = arith.cmpi eq, %squeeze3A_224, %eq3A_245 : i32
    %eq3A_247 = arith.constant 2 : i32
    %eq3A_248 = arith.cmpi eq, %squeeze3A_226, %eq3A_247 : i32
    %and3A_249 = arith.andi %eq3A_246, %eq3A_248 : i1
    %jit3A_250 = arith.constant 0.000000e+00 : f32
    %select_n3A_251 = arith.select %and3A_249, %squeeze3A_228, %jit3A_250 : f32
    %add3A_252 = arith.addf %add3A_198, %select_n3A_251 : f32
    %eq3A_253 = arith.constant 1 : i32
    %eq3A_254 = arith.cmpi eq, %squeeze3A_224, %eq3A_253 : i32
    %eq3A_255 = arith.constant 0 : i32
    %eq3A_256 = arith.cmpi eq, %squeeze3A_226, %eq3A_255 : i32
    %and3A_257 = arith.andi %eq3A_254, %eq3A_256 : i1
    %jit3A_258 = arith.constant 0.000000e+00 : f32
    %select_n3A_259 = arith.select %and3A_257, %squeeze3A_228, %jit3A_258 : f32
    %add3A_260 = arith.addf %add3A_206, %select_n3A_259 : f32
    %eq3A_261 = arith.constant 1 : i32
    %eq3A_262 = arith.cmpi eq, %squeeze3A_224, %eq3A_261 : i32
    %eq3A_263 = arith.constant 1 : i32
    %eq3A_264 = arith.cmpi eq, %squeeze3A_226, %eq3A_263 : i32
    %and3A_265 = arith.andi %eq3A_262, %eq3A_264 : i1
    %jit3A_266 = arith.constant 0.000000e+00 : f32
    %select_n3A_267 = arith.select %and3A_265, %squeeze3A_228, %jit3A_266 : f32
    %add3A_268 = arith.addf %add3A_214, %select_n3A_267 : f32
    %eq3A_269 = arith.constant 1 : i32
    %eq3A_270 = arith.cmpi eq, %squeeze3A_224, %eq3A_269 : i32
    %eq3A_271 = arith.constant 2 : i32
    %eq3A_272 = arith.cmpi eq, %squeeze3A_226, %eq3A_271 : i32
    %and3A_273 = arith.andi %eq3A_270, %eq3A_272 : i1
    %jit3A_274 = arith.constant 0.000000e+00 : f32
    %select_n3A_275 = arith.select %and3A_273, %squeeze3A_228, %jit3A_274 : f32
    %add3A_276 = arith.addf %add3A_222, %select_n3A_275 : f32
    %eq3A_277 = arith.constant 0 : i32
    %eq3A_278 = arith.cmpi eq, %select_n3A_29, %eq3A_277 : i32
    %select_n3A_279 = arith.select %eq3A_278, %add3A_236, %add3A_260 : f32
    %eq3A_280 = arith.constant 0 : i32
    %eq3A_281 = arith.cmpi eq, %select_n3A_29, %eq3A_280 : i32
    %select_n3A_282 = arith.select %eq3A_281, %add3A_244, %add3A_268 : f32
    %eq3A_283 = arith.constant 0 : i32
    %eq3A_284 = arith.cmpi eq, %select_n3A_29, %eq3A_283 : i32
    %select_n3A_285 = arith.select %eq3A_284, %add3A_252, %add3A_276 : f32
    %get3A_286 = arith.constant 0 : i32
    %get3A_287 = arith.index_cast %get3A_286 : i32 to index
    %get3A_288 = arith.constant 0 : index
    %get3A_289 = tpu.vector_load %arg8[%get3A_287, %get3A_288] {strides = array<i32>} : memref<3x128xf32, #tpu.memory_space<vmem>>, vector<1x16xf32>,
    %get3A_290 = vector.shape_cast %get3A_289 : vector<1x16xf32> to vector<16xf32>
    %mul3A_291 = vector.broadcast %select_n3A_279 : f32 to vector<16xf32>
    %mul3A_292 = arith.mulf %mul3A_291, %get3A_290 : vector<16xf32>
    %get3A_293 = arith.constant 1 : i32
    %get3A_294 = arith.index_cast %get3A_293 : i32 to index
    %get3A_295 = arith.constant 0 : index
    %get3A_296 = tpu.vector_load %arg8[%get3A_294, %get3A_295] {strides = array<i32>} : memref<3x128xf32, #tpu.memory_space<vmem>>, vector<1x16xf32>,
    %get3A_297 = vector.shape_cast %get3A_296 : vector<1x16xf32> to vector<16xf32>
    %mul3A_298 = vector.broadcast %select_n3A_282 : f32 to vector<16xf32>
    %mul3A_299 = arith.mulf %mul3A_298, %get3A_297 : vector<16xf32>
    %add3A_300 = arith.addf %mul3A_292, %mul3A_299 : vector<16xf32>
    %get3A_301 = arith.constant 2 : i32
    %get3A_302 = arith.index_cast %get3A_301 : i32 to index
    %get3A_303 = arith.constant 0 : index
    %get3A_304 = tpu.vector_load %arg8[%get3A_302, %get3A_303] {strides = array<i32>} : memref<3x128xf32, #tpu.memory_space<vmem>>, vector<1x16xf32>,
    %get3A_305 = vector.shape_cast %get3A_304 : vector<1x16xf32> to vector<16xf32>
    %mul3A_306 = vector.broadcast %select_n3A_285 : f32 to vector<16xf32>
    %mul3A_307 = arith.mulf %mul3A_306, %get3A_305 : vector<16xf32>
    %add3A_308 = arith.addf %add3A_300, %mul3A_307 : vector<16xf32>
    %swap3A = arith.constant 0 : index
    %swap3A_309 = tpu.vector_load %arg9[%swap3A] {strides = array<i32>} : memref<128xf32, #tpu.memory_space<vmem>>, vector<16xf32>,
    %swap3A_310 = vector.shape_cast %swap3A_309 : vector<16xf32> to vector<16xf32>
    %swap3A_311 = vector.shape_cast %add3A_308 : vector<16xf32> to vector<16xf32>
    tpu.vector_store %arg9[%swap3A], %swap3A_311 {strides = array<i32>} : memref<128xf32, #tpu.memory_space<vmem>>, vector<16xf32>,
    %get3A_312 = arith.constant 0 : i32
    %get3A_313 = arith.index_cast %get3A_312 : i32 to index
    %get3A_314 = arith.constant 16 : index
    %get3A_315 = tpu.vector_load %arg8[%get3A_313, %get3A_314] {strides = array<i32>} : memref<3x128xf32, #tpu.memory_space<vmem>>, vector<1x16xf32>,
    %get3A_316 = vector.shape_cast %get3A_315 : vector<1x16xf32> to vector<16xf32>
    %mul3A_317 = vector.broadcast %select_n3A_279 : f32 to vector<16xf32>
    %mul3A_318 = arith.mulf %mul3A_317, %get3A_316 : vector<16xf32>
    %get3A_319 = arith.constant 1 : i32
    %get3A_320 = arith.index_cast %get3A_319 : i32 to index
    %get3A_321 = arith.constant 16 : index
    %get3A_322 = tpu.vector_load %arg8[%get3A_320, %get3A_321] {strides = array<i32>} : memref<3x128xf32, #tpu.memory_space<vmem>>, vector<1x16xf32>,
    %get3A_323 = vector.shape_cast %get3A_322 : vector<1x16xf32> to vector<16xf32>
    %mul3A_324 = vector.broadcast %select_n3A_282 : f32 to vector<16xf32>
    %mul3A_325 = arith.mulf %mul3A_324, %get3A_323 : vector<16xf32>
    %add3A_326 = arith.addf %mul3A_318, %mul3A_325 : vector<16xf32>
    %get3A_327 = arith.constant 2 : i32
    %get3A_328 = arith.index_cast %get3A_327 : i32 to index
    %get3A_329 = arith.constant 16 : index
    %get3A_330 = tpu.vector_load %arg8[%get3A_328, %get3A_329] {strides = array<i32>} : memref<3x128xf32, #tpu.memory_space<vmem>>, vector<1x16xf32>,
    %get3A_331 = vector.shape_cast %get3A_330 : vector<1x16xf32> to vector<16xf32>
    %mul3A_332 = vector.broadcast %select_n3A_285 : f32 to vector<16xf32>
    %mul3A_333 = arith.mulf %mul3A_332, %get3A_331 : vector<16xf32>
    %add3A_334 = arith.addf %add3A_326, %mul3A_333 : vector<16xf32>
    %swap3A_335 = arith.constant 16 : index
    %swap3A_336 = tpu.vector_load %arg9[%swap3A_335] {strides = array<i32>} : memref<128xf32, #tpu.memory_space<vmem>>, vector<16xf32>,
    %swap3A_337 = vector.shape_cast %swap3A_336 : vector<16xf32> to vector<16xf32>
    %swap3A_338 = vector.shape_cast %add3A_334 : vector<16xf32> to vector<16xf32>
    tpu.vector_store %arg9[%swap3A_335], %swap3A_338 {strides = array<i32>} : memref<128xf32, #tpu.memory_space<vmem>>, vector<16xf32>,
    %get3A_339 = arith.constant 0 : i32
    %get3A_340 = arith.index_cast %get3A_339 : i32 to index
    %get3A_341 = arith.constant 32 : index
    %get3A_342 = tpu.vector_load %arg8[%get3A_340, %get3A_341] {strides = array<i32>} : memref<3x128xf32, #tpu.memory_space<vmem>>, vector<1x16xf32>,
    %get3A_343 = vector.shape_cast %get3A_342 : vector<1x16xf32> to vector<16xf32>
    %mul3A_344 = vector.broadcast %select_n3A_279 : f32 to vector<16xf32>
    %mul3A_345 = arith.mulf %mul3A_344, %get3A_343 : vector<16xf32>
    %get3A_346 = arith.constant 1 : i32
    %get3A_347 = arith.index_cast %get3A_346 : i32 to index
    %get3A_348 = arith.constant 32 : index
    %get3A_349 = tpu.vector_load %arg8[%get3A_347, %get3A_348] {strides = array<i32>} : memref<3x128xf32, #tpu.memory_space<vmem>>, vector<1x16xf32>,
    %get3A_350 = vector.shape_cast %get3A_349 : vector<1x16xf32> to vector<16xf32>
    %mul3A_351 = vector.broadcast %select_n3A_282 : f32 to vector<16xf32>
    %mul3A_352 = arith.mulf %mul3A_351, %get3A_350 : vector<16xf32>
    %add3A_353 = arith.addf %mul3A_345, %mul3A_352 : vector<16xf32>
    %get3A_354 = arith.constant 2 : i32
    %get3A_355 = arith.index_cast %get3A_354 : i32 to index
    %get3A_356 = arith.constant 32 : index
    %get3A_357 = tpu.vector_load %arg8[%get3A_355, %get3A_356] {strides = array<i32>} : memref<3x128xf32, #tpu.memory_space<vmem>>, vector<1x16xf32>,
    %get3A_358 = vector.shape_cast %get3A_357 : vector<1x16xf32> to vector<16xf32>
    %mul3A_359 = vector.broadcast %select_n3A_285 : f32 to vector<16xf32>
    %mul3A_360 = arith.mulf %mul3A_359, %get3A_358 : vector<16xf32>
    %add3A_361 = arith.addf %add3A_353, %mul3A_360 : vector<16xf32>
    %swap3A_362 = arith.constant 32 : index
    %swap3A_363 = tpu.vector_load %arg9[%swap3A_362] {strides = array<i32>} : memref<128xf32, #tpu.memory_space<vmem>>, vector<16xf32>,
    %swap3A_364 = vector.shape_cast %swap3A_363 : vector<16xf32> to vector<16xf32>
    %swap3A_365 = vector.shape_cast %add3A_361 : vector<16xf32> to vector<16xf32>
    tpu.vector_store %arg9[%swap3A_362], %swap3A_365 {strides = array<i32>} : memref<128xf32, #tpu.memory_space<vmem>>, vector<16xf32>,
    %get3A_366 = arith.constant 0 : i32
    %get3A_367 = arith.index_cast %get3A_366 : i32 to index
    %get3A_368 = arith.constant 48 : index
    %get3A_369 = tpu.vector_load %arg8[%get3A_367, %get3A_368] {strides = array<i32>} : memref<3x128xf32, #tpu.memory_space<vmem>>, vector<1x16xf32>,
    %get3A_370 = vector.shape_cast %get3A_369 : vector<1x16xf32> to vector<16xf32>
    %mul3A_371 = vector.broadcast %select_n3A_279 : f32 to vector<16xf32>
    %mul3A_372 = arith.mulf %mul3A_371, %get3A_370 : vector<16xf32>
    %get3A_373 = arith.constant 1 : i32
    %get3A_374 = arith.index_cast %get3A_373 : i32 to index
    %get3A_375 = arith.constant 48 : index
    %get3A_376 = tpu.vector_load %arg8[%get3A_374, %get3A_375] {strides = array<i32>} : memref<3x128xf32, #tpu.memory_space<vmem>>, vector<1x16xf32>,
    %get3A_377 = vector.shape_cast %get3A_376 : vector<1x16xf32> to vector<16xf32>
    %mul3A_378 = vector.broadcast %select_n3A_282 : f32 to vector<16xf32>
    %mul3A_379 = arith.mulf %mul3A_378, %get3A_377 : vector<16xf32>
    %add3A_380 = arith.addf %mul3A_372, %mul3A_379 : vector<16xf32>
    %get3A_381 = arith.constant 2 : i32
    %get3A_382 = arith.index_cast %get3A_381 : i32 to index
    %get3A_383 = arith.constant 48 : index
    %get3A_384 = tpu.vector_load %arg8[%get3A_382, %get3A_383] {strides = array<i32>} : memref<3x128xf32, #tpu.memory_space<vmem>>, vector<1x16xf32>,
    %get3A_385 = vector.shape_cast %get3A_384 : vector<1x16xf32> to vector<16xf32>
    %mul3A_386 = vector.broadcast %select_n3A_285 : f32 to vector<16xf32>
    %mul3A_387 = arith.mulf %mul3A_386, %get3A_385 : vector<16xf32>
    %add3A_388 = arith.addf %add3A_380, %mul3A_387 : vector<16xf32>
    %swap3A_389 = arith.constant 48 : index
    %swap3A_390 = tpu.vector_load %arg9[%swap3A_389] {strides = array<i32>} : memref<128xf32, #tpu.memory_space<vmem>>, vector<16xf32>,
    %swap3A_391 = vector.shape_cast %swap3A_390 : vector<16xf32> to vector<16xf32>
    %swap3A_392 = vector.shape_cast %add3A_388 : vector<16xf32> to vector<16xf32>
    tpu.vector_store %arg9[%swap3A_389], %swap3A_392 {strides = array<i32>} : memref<128xf32, #tpu.memory_space<vmem>>, vector<16xf32>,
    %get3A_393 = arith.constant 0 : i32
    %get3A_394 = arith.index_cast %get3A_393 : i32 to index
    %get3A_395 = arith.constant 64 : index
    %get3A_396 = tpu.vector_load %arg8[%get3A_394, %get3A_395] {strides = array<i32>} : memref<3x128xf32, #tpu.memory_space<vmem>>, vector<1x16xf32>,
    %get3A_397 = vector.shape_cast %get3A_396 : vector<1x16xf32> to vector<16xf32>
    %mul3A_398 = vector.broadcast %select_n3A_279 : f32 to vector<16xf32>
    %mul3A_399 = arith.mulf %mul3A_398, %get3A_397 : vector<16xf32>
    %get3A_400 = arith.constant 1 : i32
    %get3A_401 = arith.index_cast %get3A_400 : i32 to index
    %get3A_402 = arith.constant 64 : index
    %get3A_403 = tpu.vector_load %arg8[%get3A_401, %get3A_402] {strides = array<i32>} : memref<3x128xf32, #tpu.memory_space<vmem>>, vector<1x16xf32>,
    %get3A_404 = vector.shape_cast %get3A_403 : vector<1x16xf32> to vector<16xf32>
    %mul3A_405 = vector.broadcast %select_n3A_282 : f32 to vector<16xf32>
    %mul3A_406 = arith.mulf %mul3A_405, %get3A_404 : vector<16xf32>
    %add3A_407 = arith.addf %mul3A_399, %mul3A_406 : vector<16xf32>
    %get3A_408 = arith.constant 2 : i32
    %get3A_409 = arith.index_cast %get3A_408 : i32 to index
    %get3A_410 = arith.constant 64 : index
    %get3A_411 = tpu.vector_load %arg8[%get3A_409, %get3A_410] {strides = array<i32>} : memref<3x128xf32, #tpu.memory_space<vmem>>, vector<1x16xf32>,
    %get3A_412 = vector.shape_cast %get3A_411 : vector<1x16xf32> to vector<16xf32>
    %mul3A_413 = vector.broadcast %select_n3A_285 : f32 to vector<16xf32>
    %mul3A_414 = arith.mulf %mul3A_413, %get3A_412 : vector<16xf32>
    %add3A_415 = arith.addf %add3A_407, %mul3A_414 : vector<16xf32>
    %swap3A_416 = arith.constant 64 : index
    %swap3A_417 = tpu.vector_load %arg9[%swap3A_416] {strides = array<i32>} : memref<128xf32, #tpu.memory_space<vmem>>, vector<16xf32>,
    %swap3A_418 = vector.shape_cast %swap3A_417 : vector<16xf32> to vector<16xf32>
    %swap3A_419 = vector.shape_cast %add3A_415 : vector<16xf32> to vector<16xf32>
    tpu.vector_store %arg9[%swap3A_416], %swap3A_419 {strides = array<i32>} : memref<128xf32, #tpu.memory_space<vmem>>, vector<16xf32>,
    %get3A_420 = arith.constant 0 : i32
    %get3A_421 = arith.index_cast %get3A_420 : i32 to index
    %get3A_422 = arith.constant 80 : index
    %get3A_423 = tpu.vector_load %arg8[%get3A_421, %get3A_422] {strides = array<i32>} : memref<3x128xf32, #tpu.memory_space<vmem>>, vector<1x16xf32>,
    %get3A_424 = vector.shape_cast %get3A_423 : vector<1x16xf32> to vector<16xf32>
    %mul3A_425 = vector.broadcast %select_n3A_279 : f32 to vector<16xf32>
    %mul3A_426 = arith.mulf %mul3A_425, %get3A_424 : vector<16xf32>
    %get3A_427 = arith.constant 1 : i32
    %get3A_428 = arith.index_cast %get3A_427 : i32 to index
    %get3A_429 = arith.constant 80 : index
    %get3A_430 = tpu.vector_load %arg8[%get3A_428, %get3A_429] {strides = array<i32>} : memref<3x128xf32, #tpu.memory_space<vmem>>, vector<1x16xf32>,
    %get3A_431 = vector.shape_cast %get3A_430 : vector<1x16xf32> to vector<16xf32>
    %mul3A_432 = vector.broadcast %select_n3A_282 : f32 to vector<16xf32>
    %mul3A_433 = arith.mulf %mul3A_432, %get3A_431 : vector<16xf32>
    %add3A_434 = arith.addf %mul3A_426, %mul3A_433 : vector<16xf32>
    %get3A_435 = arith.constant 2 : i32
    %get3A_436 = arith.index_cast %get3A_435 : i32 to index
    %get3A_437 = arith.constant 80 : index
    %get3A_438 = tpu.vector_load %arg8[%get3A_436, %get3A_437] {strides = array<i32>} : memref<3x128xf32, #tpu.memory_space<vmem>>, vector<1x16xf32>,
    %get3A_439 = vector.shape_cast %get3A_438 : vector<1x16xf32> to vector<16xf32>
    %mul3A_440 = vector.broadcast %select_n3A_285 : f32 to vector<16xf32>
    %mul3A_441 = arith.mulf %mul3A_440, %get3A_439 : vector<16xf32>
    %add3A_442 = arith.addf %add3A_434, %mul3A_441 : vector<16xf32>
    %swap3A_443 = arith.constant 80 : index
    %swap3A_444 = tpu.vector_load %arg9[%swap3A_443] {strides = array<i32>} : memref<128xf32, #tpu.memory_space<vmem>>, vector<16xf32>,
    %swap3A_445 = vector.shape_cast %swap3A_444 : vector<16xf32> to vector<16xf32>
    %swap3A_446 = vector.shape_cast %add3A_442 : vector<16xf32> to vector<16xf32>
    tpu.vector_store %arg9[%swap3A_443], %swap3A_446 {strides = array<i32>} : memref<128xf32, #tpu.memory_space<vmem>>, vector<16xf32>,
    %get3A_447 = arith.constant 0 : i32
    %get3A_448 = arith.index_cast %get3A_447 : i32 to index
    %get3A_449 = arith.constant 96 : index
    %get3A_450 = tpu.vector_load %arg8[%get3A_448, %get3A_449] {strides = array<i32>} : memref<3x128xf32, #tpu.memory_space<vmem>>, vector<1x16xf32>,
    %get3A_451 = vector.shape_cast %get3A_450 : vector<1x16xf32> to vector<16xf32>
    %mul3A_452 = vector.broadcast %select_n3A_279 : f32 to vector<16xf32>
    %mul3A_453 = arith.mulf %mul3A_452, %get3A_451 : vector<16xf32>
    %get3A_454 = arith.constant 1 : i32
    %get3A_455 = arith.index_cast %get3A_454 : i32 to index
    %get3A_456 = arith.constant 96 : index
    %get3A_457 = tpu.vector_load %arg8[%get3A_455, %get3A_456] {strides = array<i32>} : memref<3x128xf32, #tpu.memory_space<vmem>>, vector<1x16xf32>,
    %get3A_458 = vector.shape_cast %get3A_457 : vector<1x16xf32> to vector<16xf32>
    %mul3A_459 = vector.broadcast %select_n3A_282 : f32 to vector<16xf32>
    %mul3A_460 = arith.mulf %mul3A_459, %get3A_458 : vector<16xf32>
    %add3A_461 = arith.addf %mul3A_453, %mul3A_460 : vector<16xf32>
    %get3A_462 = arith.constant 2 : i32
    %get3A_463 = arith.index_cast %get3A_462 : i32 to index
    %get3A_464 = arith.constant 96 : index
    %get3A_465 = tpu.vector_load %arg8[%get3A_463, %get3A_464] {strides = array<i32>} : memref<3x128xf32, #tpu.memory_space<vmem>>, vector<1x16xf32>,
    %get3A_466 = vector.shape_cast %get3A_465 : vector<1x16xf32> to vector<16xf32>
    %mul3A_467 = vector.broadcast %select_n3A_285 : f32 to vector<16xf32>
    %mul3A_468 = arith.mulf %mul3A_467, %get3A_466 : vector<16xf32>
    %add3A_469 = arith.addf %add3A_461, %mul3A_468 : vector<16xf32>
    %swap3A_470 = arith.constant 96 : index
    %swap3A_471 = tpu.vector_load %arg9[%swap3A_470] {strides = array<i32>} : memref<128xf32, #tpu.memory_space<vmem>>, vector<16xf32>,
    %swap3A_472 = vector.shape_cast %swap3A_471 : vector<16xf32> to vector<16xf32>
    %swap3A_473 = vector.shape_cast %add3A_469 : vector<16xf32> to vector<16xf32>
    tpu.vector_store %arg9[%swap3A_470], %swap3A_473 {strides = array<i32>} : memref<128xf32, #tpu.memory_space<vmem>>, vector<16xf32>,
    %get3A_474 = arith.constant 0 : i32
    %get3A_475 = arith.index_cast %get3A_474 : i32 to index
    %get3A_476 = arith.constant 112 : index
    %get3A_477 = tpu.vector_load %arg8[%get3A_475, %get3A_476] {strides = array<i32>} : memref<3x128xf32, #tpu.memory_space<vmem>>, vector<1x16xf32>,
    %get3A_478 = vector.shape_cast %get3A_477 : vector<1x16xf32> to vector<16xf32>
    %mul3A_479 = vector.broadcast %select_n3A_279 : f32 to vector<16xf32>
    %mul3A_480 = arith.mulf %mul3A_479, %get3A_478 : vector<16xf32>
    %get3A_481 = arith.constant 1 : i32
    %get3A_482 = arith.index_cast %get3A_481 : i32 to index
    %get3A_483 = arith.constant 112 : index
    %get3A_484 = tpu.vector_load %arg8[%get3A_482, %get3A_483] {strides = array<i32>} : memref<3x128xf32, #tpu.memory_space<vmem>>, vector<1x16xf32>,
    %get3A_485 = vector.shape_cast %get3A_484 : vector<1x16xf32> to vector<16xf32>
    %mul3A_486 = vector.broadcast %select_n3A_282 : f32 to vector<16xf32>
    %mul3A_487 = arith.mulf %mul3A_486, %get3A_485 : vector<16xf32>
    %add3A_488 = arith.addf %mul3A_480, %mul3A_487 : vector<16xf32>
    %get3A_489 = arith.constant 2 : i32
    %get3A_490 = arith.index_cast %get3A_489 : i32 to index
    %get3A_491 = arith.constant 112 : index
    %get3A_492 = tpu.vector_load %arg8[%get3A_490, %get3A_491] {strides = array<i32>} : memref<3x128xf32, #tpu.memory_space<vmem>>, vector<1x16xf32>,
    %get3A_493 = vector.shape_cast %get3A_492 : vector<1x16xf32> to vector<16xf32>
    %mul3A_494 = vector.broadcast %select_n3A_285 : f32 to vector<16xf32>
    %mul3A_495 = arith.mulf %mul3A_494, %get3A_493 : vector<16xf32>
    %add3A_496 = arith.addf %add3A_488, %mul3A_495 : vector<16xf32>
    %swap3A_497 = arith.constant 112 : index
    %swap3A_498 = tpu.vector_load %arg9[%swap3A_497] {strides = array<i32>} : memref<128xf32, #tpu.memory_space<vmem>>, vector<16xf32>,
    %swap3A_499 = vector.shape_cast %swap3A_498 : vector<16xf32> to vector<16xf32>
    %swap3A_500 = vector.shape_cast %add3A_496 : vector<16xf32> to vector<16xf32>
    tpu.vector_store %arg9[%swap3A_497], %swap3A_500 {strides = array<i32>} : memref<128xf32, #tpu.memory_space<vmem>>, vector<16xf32>,
    %dma_start3A_501 = tpu.memref_slice %arg5[%mul3A_0] : memref<2048xf32, #tpu.memory_space<hbm>> -> memref<128xf32, #tpu.memory_space<hbm>>
    %dma_start3A_502 = tpu.memref_slice %arg5[%mul3A_0] : memref<2048xf32, #tpu.memory_space<hbm>> -> memref<128xf32, #tpu.memory_space<hbm>>
    tpu.enqueue_dma source(%arg9 : memref<128xf32, #tpu.memory_space<vmem>>) target(%dma_start3A_502 : memref<128xf32, #tpu.memory_space<hbm>>) target_semaphore(%arg10 : memref<!tpu.dma_semaphore, #tpu.memory_space<semaphore_mem>>)
    %dma_wait3A_503 = tpu.memref_slice %arg5[%mul3A_0] : memref<2048xf32, #tpu.memory_space<hbm>> -> memref<128xf32, #tpu.memory_space<hbm>>
    %dma_wait3A_504 = tpu.memref_slice %arg5[%mul3A_0] : memref<2048xf32, #tpu.memory_space<hbm>> -> memref<128xf32, #tpu.memory_space<hbm>>
    tpu.wait_dma2 semaphore(%arg10 : memref<!tpu.dma_semaphore, #tpu.memory_space<semaphore_mem>>) src(%arg9 : memref<128xf32, #tpu.memory_space<vmem>>) dst(%dma_wait3A_504 : memref<128xf32, #tpu.memory_space<hbm>>)
    return
  }
}

</mosaic_0001>

<sc_bundles>
// kernel: kernel.3.cloned.1.call-start
scs
__scs_entry_jumppad:
0x0: {  	(pc) =	sbr.rel $0x88, $3  }
0x1: {  	(tag) =	ssettag $0x0;
	lr =	simm.s32 $0x1  }
0x2: {  	[smem:$0x3F9E] =	sst lr;
	_ =	strace $0xD0000000  }
0x3: {  	_ = 	snop  }
0x4: {  	_ = 	snop  }
0x5: {  	_ = 	snop  }
0x6: {  	_ = 	snop  }
0x7: {  	_ = 	snop  }
__scs_overlays_trampoline_lowered:
0x8: {  	[smem:$0x3FAD] =	sst s0  }
0x9: {  	[smem:$0x3FAE] =	sst s1  }
0xa: {  	[smem:$0x3FAF] =	sst s2  }
0xb: {  	[smem:$0x3FB0] =	sst s3  }
0xc: {  	[smem:$0x3FB1] =	sst s4  }
0xd: {  	[smem:$0x3FB2] =	sst s5  }
0xe: {  	[smem:$0x3FB3] =	sst s6  }
0xf: {  	[smem:$0x3FB4] =	sst s7  }
0x10: {  	[smem:$0x3FB5] =	sst s8  }
0x11: {  	[smem:$0x3FB6] =	sst s9;
	s0 =	simm.s32 @!p0 $0x0  }
0x12: {  	s1 =	sld [smem:$0x3F9C];
	s0 =	simm.s32 @p0 $0x1  }
0x13: {  	[smem:$0x3FB7] =	sst s0;
	s0 =	simm.s32 @!p1 $0x0  }
0x14: {  	s2 =	sld [smem:$0x3F9B];
	s0 =	simm.s32 @p1 $0x1  }
0x15: {  	[smem:$0x3FB8] =	sst s0;
	s0 =	simm.s32 @!p2 $0x0  }
0x16: {  	s3 =	sld [smem:$0x3FDB];
	s0 =	simm.s32 @p2 $0x1  }
0x17: {  	s4 =	simm.s32 $0x1BF5;
	[smem:$0x3FBA] =	sst s0  }
0x18: {  	s0 =	sld [smem:$0x3F9D];
	_ =	swait.ge [sflag:s4], $0x0  }
0x19: {  	s7 =	sld [smem:$0x3F9E]  }
0x1a: {  	s8 =	sadd.s32 $0xFFFFE003, lr  }
0x1b: {  	s9 =	sadd.s32 $0xFFFFFEF7, lr;
	s5 =	simm.s32 $0xFFFFFFFF;
	p2 =	slt.u32 s8, $0xFFFFF086  }
0x1c: {  	p1 =	slt.u32 s9, $0xF7A;
	s5 =	simm.s32 @!p2 $0x0  }
0x1d: {  	s5 =	simm.s32 @p1 $0x1;
	p0 =	seq.s32 s7, s2  }
0x1e: {  	s7 =	smul.u32 @!p0 $0xF7A, s2;
	p2 =	seq.s32 @!p0 s5, $0x0  }
0x1f: {  	s9 =	smul.u32 $0xF7A, s1;
	s8 =	simm.s32 @!p0 $0x1BF5;
	p2 =	por !p2, p0  }
0x20: {  	[sflag:s8] =	ssyncset.s32 @!p0 $0xFFFFF086;
	s6 =	sadd.s32 @!p0 s3, s7;
	s7 =	simm.s32 @!p0 $0x108  }
0x21: {  	s3 =	sadd.s32 s3, s9;
	s6 =	sadd.s32 @!p0 $0x88, s6;
	s7 =	simm.s32 @p2 $0x1082  }
0x22: {  	[simem:s7], [sflag:s8] =	dma.local @!p0 [hbm:s6], $0xF7A  }
0x23: {  	s9 =	sor.u32 $0xD0000000, s2;
	s6 =	simm.s32 $0x108;
	_ =	swait.ge @!p0 [sflag:s8], $0x0  }
0x24: {  	s3 =	sadd.s32 $0x88, s3;
	s6 =	simm.s32 @!p1 $0x1082;
	[sflag:s4] =	ssyncset.s32 $0xFFFFF086  }
0x25: {  	[simem:s6], [sflag:s4] =	dma.local [hbm:s3], $0xF7A  }
0x26: {  	[smem:$0x3F9E] =	sst s1;
	(tag) =	ssettag s2;
	_ =	strace s9  }
0x27: {  	s1 =	sld [smem:$0x3FAE]  }
0x28: {  	s2 =	sld [smem:$0x3FAF]  }
0x29: {  	s4 =	sld [smem:$0x3FB1]  }
0x2a: {  	p0 =	seq.s32 s5, $0x0;
	s5 =	sld [smem:$0x3FB2]  }
0x2b: {  	s6 =	sld [smem:$0x3FB3]  }
0x2c: {  	s7 =	sld [smem:$0x3FB4]  }
0x2d: {  	s3 =	simm.s32 $0x108;
	s8 =	sld [smem:$0x3FB5]  }
0x2e: {  	s3 =	simm.s32 @!p0 $0x1082;
	s9 =	sld [smem:$0x3FB6]  }
0x2f: {  	lr =	sadd.s32 s0, s3;
	s0 =	sld [smem:$0x3FAD]  }
0x30: {  	s3 =	sld [smem:$0x3FB0]  }
0x31: {  	[smem:$0x3FB9] =	sst s10  }
0x32: {  	s10 =	sld [smem:$0x3FB7];
	_ =	sdelay $0x3  }
0x33: {  	p0 =	seq.s32 s10, $0x1;
	s10 =	sld [smem:$0x3FB9];
	_ =	sdelay $0x3  }
0x34: {  	[smem:$0x3FB9] =	sst s10  }
0x35: {  	s10 =	sld [smem:$0x3FB8];
	_ =	sdelay $0x3  }
0x36: {  	p1 =	seq.s32 s10, $0x1;
	s10 =	sld [smem:$0x3FB9];
	_ =	sdelay $0x3  }
0x37: {  	[smem:$0x3FB9] =	sst s10  }
0x38: {  	s10 =	sld [smem:$0x3FBA]  }
0x39: {  	_ = 	snop;
	(pc) =	sbr.ind lr, $3  }
0x3a: {  	_ = 	snop  }
0x3b: {  	_ = 	snop  }
0x3c: {  	p2 =	seq.s32 s10, $0x1;
	s10 =	sld [smem:$0x3FB9]  }
0x3d: {  	_ =	shalt  }
0x3e: {  	_ =	shalt  }
0x3f: {  	_ =	shalt  }
0x40: {  	_ =	shalt  }
0x41: {  	_ =	shalt  }
0x42: {  	_ =	shalt  }
0x43: {  	_ =	shalt  }
0x44: {  	_ =	shalt  }
0x45: {  	_ =	shalt  }
0x46: {  	_ =	shalt  }
0x47: {  	_ =	shalt  }
0x48: {  	_ =	shalt  }
0x49: {  	_ =	shalt  }
0x4a: {  	_ =	shalt  }
0x4b: {  	_ =	shalt  }
0x4c: {  	_ =	shalt  }
0x4d: {  	_ =	shalt  }
0x4e: {  	_ =	shalt  }
0x4f: {  	_ =	shalt  }
0x50: {  	_ =	shalt  }
0x51: {  	_ =	shalt  }
0x52: {  	_ =	shalt  }
0x53: {  	_ =	shalt  }
0x54: {  	_ =	shalt  }
0x55: {  	_ =	shalt  }
0x56: {  	_ =	shalt  }
0x57: {  	_ =	shalt  }
0x58: {  	_ =	shalt  }
0x59: {  	_ =	shalt  }
0x5a: {  	_ =	shalt  }
0x5b: {  	_ =	shalt  }
0x5c: {  	_ =	shalt  }
0x5d: {  	_ =	shalt  }
0x5e: {  	_ =	shalt  }
0x5f: {  	_ =	shalt  }
0x60: {  	_ =	shalt  }
0x61: {  	_ =	shalt  }
0x62: {  	_ =	shalt  }
0x63: {  	_ =	shalt  }
0x64: {  	_ =	shalt  }
0x65: {  	_ =	shalt  }
0x66: {  	_ =	shalt  }
0x67: {  	_ =	shalt  }
0x68: {  	_ =	shalt  }
0x69: {  	_ =	shalt  }
0x6a: {  	_ =	shalt  }
0x6b: {  	_ =	shalt  }
0x6c: {  	_ =	shalt  }
0x6d: {  	_ =	shalt  }
0x6e: {  	_ =	shalt  }
0x6f: {  	_ =	shalt  }
0x70: {  	_ =	shalt  }
0x71: {  	_ =	shalt  }
0x72: {  	_ =	shalt  }
0x73: {  	_ =	shalt  }
0x74: {  	_ =	shalt  }
0x75: {  	_ =	shalt  }
0x76: {  	_ =	shalt  }
0x77: {  	_ =	shalt  }
0x78: {  	_ =	shalt  }
0x79: {  	_ =	shalt  }
0x7a: {  	_ =	shalt  }
0x7b: {  	_ =	shalt  }
0x7c: {  	_ =	shalt  }
0x7d: {  	_ =	shalt  }
0x7e: {  	_ =	shalt  }
0x7f: {  	_ =	shalt  }
0x80: {  	_ =	shalt  }
0x81: {  	_ =	shalt  }
0x82: {  	_ =	shalt  }
0x83: {  	_ =	shalt  }
0x84: {  	_ =	shalt  }
0x85: {  	_ =	shalt  }
0x86: {  	_ =	shalt  }
0x87: {  	_ =	shalt  }
.Lfunc_end0:
.L_simem_size_0:
called_computation_lowered:
.L_overlay_start_0:
0x88: {  	s0 =	sld [smem:$0x3FD9]  }
0x89: {  	s1 =	sld [smem:$0x3FFE];
	_ =	sdelay $0x3  }
0x8a: {  	s0 =	sadd.s32 s1, s0  }
0x8b: {  	[smem:$0x3FC5] =	sst s0  }
0x8c: {  	_ = 	snop  }
0x8d: {  	s0 =	sld [smem:$0x3FC8]  }
0x8e: {  	s16 =	sld [smem:$0x3FC7]  }
0x8f: {  	s2 =	sld [smem:$0x3FD0];
	(tm) =	ssettm $0x1  }
0x90: {  	s3 =	sld [smem:$0x3FFB];
	_ =	sdelay $0x3  }
0x91: {  	_ =	strace s3  }
0x92: {  	s3 =	sld [smem:$0x3FFC];
	_ =	sdelay $0x3  }
0x93: {  	_ =	strace s3  }
0x94: {  	s3 =	sld [smem:$0x3FFD];
	_ =	sdelay $0x3  }
0x95: {  	_ =	strace s3  }
0x96: {  	_ =	strace $0x8FFFFFFF  }
0x97: {  	s17 =	sld [smem:$0x3FDB];
	_ =	sdelay $0x1  }
0x98: {  	s4 =	simm.s32 $_scs_section_size  }
0x99: {  	s5 =	simm.s32 $_size__tile_overlayer_lowered;
	s6 =	simm.s32 $_tile_overlayer_lowered  }
0x9a: {  	s20 =	simm.s32 $0x1BFF;
	s19 =	sshll.u32 s6, $0x1;
	s3 =	sadd.s32 s4, s17  }
0x9b: {  	s7 =	simm.s32 $0x0;
	s18 =	sshll.u32 s5, $0x1;
	s5 =	sadd.s32 s19, s3  }
0x9c: {  	[timem:s7], [sflag:s20] =	dma.local [hbm:s5], s18  }
0x9d: {  	_ =	swait.ge [sflag:s20], s18  }
0x9e: {  	s4 =	ssub.s32 $0x0, s18;
	[sflag:s20] =	ssyncset.done $0x0  }
0x9f: {  	[sflag:s20] =	ssyncadd.s32 s4;
	_ =	sdelay $0x1  }
0xa0: {  	s21 =	simm.s32 $0x1B8B  }
0xa1: {  	_ =	swait.ge [sflag:s21], $0x1  }
0xa2: {  	[sflag:s21] =	ssyncset.done $0x0  }
0xa3: {  	s23 =	simm.s32 $0x1B8E;
	s22 =	sld [smem:$0x3FFE];
	[sflag:s21] =	ssyncadd.s32 $0xFFFFFFFF  }
0xa4: {  	s24 =	simm.s32 $execute0_lowered;
	[smem:$0x3FD2] =	sst s23  }
0xa5: {  	s5 =	sshll.u32 s24, $0x1;
	_ =	strace $0x80000046;
	[dreg:$0x1] =	wrdreg $0xFFFFFFFF  }
0xa6: {  	s25 =	simm.s32 $_size_execute0_lowered;
	s3 =	sadd.s32 s3, s5;
	[dreg:$0x0] =	wrdreg $0x0  }
0xa7: {  	s5 =	sshll.u32 s25, $0x1;
	[dreg:$0x2] =	wrdreg s3  }
0xa8: {  	[dreg:$0x3] =	wrdreg s5  }
0xa9: {  	[dreg:$0x4] =	wrdreg $0xC0  }
0xaa: {  	_ =	task [dreg:s7], $0x5FFFF  }
0xab: {  	[dreg:$0x1] =	wrdreg $0xFFFFFFFF  }
0xac: {  	[dreg:$0x0] =	wrdreg $0x60  }
0xad: {  	[dreg:$0x2] =	wrdreg s2  }
0xae: {  	[dreg:$0x3] =	wrdreg s0  }
0xaf: {  	[dreg:$0x4] =	wrdreg s16  }
0xb0: {  	[dreg:$0x5] =	wrdreg s22  }
0xb1: {  	[dreg:$0x6] =	wrdreg $0x9  }
0xb2: {  	_ =	task.clear_ibuf [dreg:s7], $0x7FFFF;
	_ =	strace $0x90000046  }
0xb3: {  	s26 =	simm.s32 $0x9;
	_ =	strace $0x80000048  }
0xb4: {  	_ =	swait.ge [sflag:s26], $0x1  }
0xb5: {  	[sflag:s26] =	ssyncadd.s32 $0xFFFFFFFF  }
0xb6: {  	_ =	strace $0x90000048  }
0xb7: {  	_ =	sfence  }
0xb8: {  	s28 =	sld [smem:$0x0];
	_ =	sdelay $0x1  }
0xb9: {  	s29 =	srdreg.scid  }
0xba: {  	s30 =	sshll.u32 s29, $0xD;
	s31 =	sshrl.u32 s29, $0x2  }
0xbb: {  	s1 =	sand.u32 $0x1, s29;
	s2 =	sand.u32 $0x4000, s30;
	s0 =	sadd.s32 s31, s28  }
0xbc: {  	s1 =	sor.u32 s2, s1;
	s0 =	sshll.u32 s0, $0x11  }
0xbd: {  	s0 =	sor.u32 s0, s1  }
0xbe: {  	s0 =	sadd.s32 $0x8F2B, s0  }
0xbf: {  	[sflag:s0] =	ssyncadd.remote.s32 $0x1  }
0xc0: {  	_ =	sfence.sel $0xFFFF  }
0xc1: {  	[dreg:$0x0] =	wrdreg $0xFFFFFFFF;
	(pc) =	sbr.abs _section_cstart, $3  }
0xc2: {  	[dreg:$0x1] =	wrdreg $0xFFFFFFFF  }
0xc3: {  	_ =	task.clear_ibuf [dreg:s7], $0x2FFFF;
	_ =	strace $0x9FFFFFFF  }
0xc4: {  	(tm) =	ssettm $0x7FFFFFFF  }
0xc5: {  	_ =	shalt  }
tec
execute0_lowered:
.L_overlay_start_1:
0x0: {  	(tag) =	ssettag $0x1  }
0x1: {  	s4 =	rddreg [dreg:$0x0]  }
0x2: {  	s5 =	rddreg [dreg:$0x1]  }
0x3: {  	s6 =	rddreg [dreg:$0x2]  }
0x4: {  	s3 =	rddreg [dreg:$0x3]  }
0x5: {  	s1 =	stileid.u32;
	s0 =	rddreg [dreg:$0x4]  }
0x6: {  	s2 =	simm.s32 $0x0;
	s25 =	simm.s32 $0x200;
	s7 =	sshll.u32 s1, $0x6  }
0x7: {  	s8 =	simm.s32 $0x1000;
	[smem:$0x7FF] =	sst s2;
	s7 =	sand.u32 $0x1C0, s7  }
0x8: {  	s9 =	simm.s32 $0x100;
	_ =	strace $0x80000047;
	s6 =	sadd.s32 s6, s7  }
0x9: {  	[tilespmem:s9], [sflag:$0x1] =	stream.strided.gather [hbm4b:s6+s25], $0x0, s8, s25, $0x38;
	[tilespmem:$0x380] =	vst v63  }
0xa: {  	_ = 	snop  }
0xb: {  	[tilespmem:s9], [sflag:$0x1] =	stream.linear.gather [hbm4b:s6+s2], $0x180, $0x38;
	[tilespmem:$0x380] =	vst v63  }
0xc: {  	_ = 	snop  }
0xd: {  	[tilespmem:s2], [sflag:$0x1] =	stream.linear.gather [hbm4b:s4+s2], $0x8, $0x38;
	[tilespmem:$0x380] =	vst v63  }
0xe: {  	s26 =	simm.s32 $0x80;
	s4 =	simm.s32 $0x1  }
0xf: {  	[tilespmem:s26], [sflag:$0x1] =	stream.linear.gather [hbm4b:s5+s2], $0x4, $0x38;
	[tilespmem:$0x380] =	vst v63  }
0x10: {  	_ =	swait.ge [sflag:s4], $0x180  }
0x11: {  	[sflag:s4] =	ssyncset.done $0x0  }
0x12: {  	[sflag:s4] =	ssyncadd.s32 $0xFFFFFE80  }
0x13: {  	_ =	swait.ge [sflag:s4], $0x8  }
0x14: {  	[sflag:s4] =	ssyncset.done $0x0  }
0x15: {  	[sflag:s4] =	ssyncadd.s32 $0xFFFFFFF8  }
0x16: {  	_ =	swait.ge [sflag:s4], $0x4  }
0x17: {  	[sflag:s4] =	ssyncset.done $0x0  }
0x18: {  	[sflag:s4] =	ssyncadd.s32 $0xFFFFFFFC  }
0x19: {  	v0 =	vld [tilespmem:$0x0];
	_ =	sdelay $0x1  }
0x1a: {  	v1 =	vld [tilespmem:$0x80];
	_ =	sdelay $0x2  }
0x1b: {  	(v2sf) =	vpush v0, $0x0  }
0x1c: {  	(v2sf) =	vpush v0, $0x4  }
0x1d: {  	(v2sf) =	vpush v1, $0x0;
	_ =	sdelay $0x1  }
0x1e: {  	(v2sf) =	vpush v0, $0x1  }
0x1f: {  	(v2sf) =	vpush v0, $0x5  }
0x20: {  	(v2sf) =	vpush v1, $0x1;
	_ =	sdelay $0x2  }
0x21: {  	(v2sf) =	vpush v0, $0x2;
	_ =	sdelay $0x5  }
0x22: {  	s28 =	spop (v2sf)  }
0x23: {  	(v2sf) =	vpush v0, $0x6;
	s29 =	spop (v2sf)  }
0x24: {  	s30 =	spop (v2sf)  }
0x25: {  	p2 =	seq.s32 s28, $0x0;
	s7 =	sadd.f32 $0.0e+00, s30  }
0x26: {  	s10 =	sor.u32 s29, s28;
	p0 =	seq.s32 s29, $0x1;
	s31 =	spop (v2sf)  }
0x27: {  	p1 =	seq.s32 s10, $0x0;
	s19 =	spop (v2sf);
	s11 =	smov.u32 s7  }
0x28: {  	(v2sf) =	vpush v1, $0x2;
	s10 =	smov.u32 s7;
	s12 =	smov.u32 s7;
	s15 =	spop (v2sf)  }
0x29: {  	s16 =	sor.u32 s19, s31;
	s11 =	simm.s32 @!p0 $0x0;
	p0 =	seq.s32 s29, $0x2  }
0x2a: {  	(v2sf) =	vpush v0, $0x3;
	s10 =	simm.s32 @!p1 $0x0;
	p1 =	seq.s32 s19, $0x1;
	s17 =	smov.u32 s15  }
0x2b: {  	s18 =	smov.u32 s15;
	s21 =	spop (v2sf);
	s13 =	smov.u32 s11  }
0x2c: {  	s12 =	simm.s32 @!p0 $0x0;
	p0 =	seq.s32 s16, $0x0;
	s16 =	smov.u32 s15  }
0x2d: {  	(v2sf) =	vpush v0, $0x7;
	s17 =	simm.s32 @!p1 $0x0;
	p1 =	seq.s32 s19, $0x2;
	s13 =	simm.s32 @!p2 $0x0  }
0x2e: {  	s14 =	smov.u32 s12;
	s16 =	simm.s32 @!p0 $0x0;
	p0 =	seq.s32 s31, $0x0  }
0x2f: {  	s18 =	simm.s32 @!p1 $0x0;
	p1 =	seq.s32 s19, $0x0;
	s14 =	simm.s32 @!p2 $0x0  }
0x30: {  	s10 =	sadd.f32 s16, s10;
	s16 =	smov.u32 s17;
	p2 =	seq.s32 s29, $0x0  }
0x31: {  	s15 =	simm.s32 @!p1 $0x0;
	s16 =	simm.s32 @!p0 $0x0;
	s7 =	simm.s32 @!p2 $0x0  }
0x32: {  	s20 =	sadd.f32 s16, s13;
	s13 =	smov.u32 s18;
	s23 =	spop (v2sf);
	(v2sf) =	vpush v1, $0x3  }
0x33: {  	p2 =	seq.s32 s31, $0x1;
	s13 =	simm.s32 @!p0 $0x0;
	p0 =	seq.s32 s28, $0x1  }
0x34: {  	s15 =	simm.s32 @!p2 $0x0;
	s22 =	sadd.f32 s13, s14;
	s7 =	simm.s32 @!p0 $0x0  }
0x35: {  	s17 =	simm.s32 @!p2 $0x0;
	s11 =	simm.s32 @!p0 $0x0;
	s7 =	sadd.f32 s15, s7  }
0x36: {  	s18 =	simm.s32 @!p2 $0x0;
	s12 =	simm.s32 @!p0 $0x0;
	s24 =	sadd.f32 s17, s11  }
0x37: {  	s12 =	sadd.f32 s18, s12;
	s9 =	spop (v2sf);
	s25 =	sor.u32 s23, s21  }
0x38: {  	p1 =	seq.s32 s23, $0x1;
	p0 =	seq.s32 s25, $0x0;
	s11 =	smov.u32 s9  }
0x39: {  	s14 =	smov.u32 s9;
	s15 =	smov.u32 s9;
	s26 =	spop (v2sf)  }
0x3a: {  	s11 =	simm.s32 @!p0 $0x0;
	s14 =	simm.s32 @!p1 $0x0;
	p0 =	seq.s32 s21, $0x0  }
0x3b: {  	p1 =	seq.s32 s23, $0x2;
	s10 =	sadd.f32 s10, s11;
	s11 =	smov.u32 s14  }
0x3c: {  	s28 =	spop (v2sf);
	s15 =	simm.s32 @!p1 $0x0;
	s11 =	simm.s32 @!p0 $0x0  }
0x3d: {  	p1 =	seq.s32 s23, $0x0;
	s6 =	sadd.f32 s20, s11;
	s11 =	smov.u32 s15  }
0x3e: {  	s9 =	simm.s32 @!p1 $0x0;
	s11 =	simm.s32 @!p0 $0x0;
	p0 =	seq.s32 s21, $0x1  }
0x3f: {  	v32 =	vld [tilespmem:$0x100];
	s29 =	sor.u32 s28, s26;
	s5 =	sadd.f32 s22, s11;
	s9 =	simm.s32 @!p0 $0x0  }
0x40: {  	v33 =	vld [tilespmem:$0x180];
	p1 =	seq.s32 s28, $0x1;
	s14 =	simm.s32 @!p0 $0x0;
	s7 =	sadd.f32 s7, s9  }
0x41: {  	v2 =	vld [tilespmem:$0x200];
	s15 =	simm.s32 @!p0 $0x0;
	s8 =	sadd.f32 s24, s14;
	s11 =	spop (v2sf)  }
0x42: {  	v3 =	vld [tilespmem:$0x110];
	p0 =	seq.s32 s29, $0x0;
	s12 =	sadd.f32 s12, s15;
	s14 =	smov.u32 s11  }
0x43: {  	v4 =	vld [tilespmem:$0x190];
	s15 =	smov.u32 s11;
	s16 =	smov.u32 s11;
	s14 =	simm.s32 @!p0 $0x0  }
0x44: {  	v5 =	vld [tilespmem:$0x210];
	s15 =	simm.s32 @!p1 $0x0;
	p0 =	seq.s32 s26, $0x0;
	p1 =	seq.s32 s28, $0x2  }
0x45: {  	v6 =	vld [tilespmem:$0x120];
	s10 =	sadd.f32 s10, s14;
	s14 =	smov.u32 s15;
	s16 =	simm.s32 @!p1 $0x0  }
0x46: {  	v7 =	vld [tilespmem:$0x1A0];
	p1 =	seq.s32 s28, $0x0;
	s14 =	simm.s32 @!p0 $0x0;
	s9 =	smov.u32 s16  }
0x47: {  	v8 =	vld [tilespmem:$0x220];
	s11 =	simm.s32 @!p1 $0x0;
	s9 =	simm.s32 @!p0 $0x0;
	p0 =	seq.s32 s26, $0x1  }
0x48: {  	v9 =	vld [tilespmem:$0x130];
	s6 =	sadd.f32 s6, s14;
	s11 =	simm.s32 @!p0 $0x0  }
0x49: {  	v10 =	vld [tilespmem:$0x1B0];
	s15 =	simm.s32 @!p0 $0x0;
	s7 =	sadd.f32 s7, s11  }
0x4a: {  	v11 =	vld [tilespmem:$0x230];
	s8 =	sadd.f32 s8, s15  }
0x4b: {  	v12 =	vld [tilespmem:$0x140];
	s5 =	sadd.f32 s5, s9;
	s16 =	simm.s32 @!p0 $0x0;
	p0 =	slt.u32 s1, $0x8  }
0x4c: {  	v13 =	vld [tilespmem:$0x1C0];
	s9 =	sadd.f32 s12, s16;
	s7 =	smov.u32 @p0 s10;
	s8 =	smov.u32 @p0 s6  }
0x4d: {  	v15 =	vld [tilespmem:$0x150];
	v0 =	vmul.f32 s7, v32;
	v1 =	vmul.f32 s8, v33  }
0x4e: {  	v16 =	vld [tilespmem:$0x1D0];
	s9 =	smov.u32 @p0 s5;
	v3 =	vmul.f32 s7, v3;
	v4 =	vmul.f32 s8, v4  }
0x4f: {  	v35 =	vld [tilespmem:$0x250];
	v34 =	vmul.f32 s9, v2;
	v36 =	vmul.f32 s9, v5  }
0x50: {  	v37 =	vld [tilespmem:$0x160];
	v38 =	vmul.f32 s7, v6;
	v39 =	vmul.f32 s8, v7  }
0x51: {  	v40 =	vld [tilespmem:$0x1E0];
	v41 =	vmul.f32 s7, v9;
	v42 =	vmul.f32 s8, v10  }
0x52: {  	v43 =	vld [tilespmem:$0x170];
	v44 =	vmul.f32 s9, v8;
	v45 =	vmul.f32 s9, v11  }
0x53: {  	v46 =	vld [tilespmem:$0x1F0];
	v47 =	vmul.f32 s7, v12;
	v48 =	vmul.f32 s8, v13  }
0x54: {  	v49 =	vld [tilespmem:$0x260];
	v51 =	vmul.f32 s7, v15;
	v53 =	vmul.f32 s8, v16;
	v0 =	vadd.f32 v1, v0  }
0x55: {  	v52 =	vld [tilespmem:$0x270];
	v2 =	vmul.f32 s9, v35;
	v5 =	vmul.f32 s7, v37;
	v3 =	vadd.f32 v4, v3  }
0x56: {  	v14 =	vld [tilespmem:$0x240];
	v7 =	vmul.f32 s8, v40;
	v1 =	vadd.f32 v39, v38;
	v0 =	vadd.f32 v0, v34  }
0x57: {  	v56 =	vmul.f32 s7, v43;
	v4 =	vadd.f32 v42, v41;
	v3 =	vadd.f32 v3, v36  }
0x58: {  	v57 =	vmul.f32 s8, v46;
	v55 =	vadd.f32 v53, v51;
	v1 =	vadd.f32 v44, v1;
	[tilespmem:$0x300] =	vst v0  }
0x59: {  	v59 =	vmul.f32 s9, v49;
	v58 =	vadd.f32 v7, v5;
	v4 =	vadd.f32 v45, v4;
	[tilespmem:$0x310] =	vst v3  }
0x5a: {  	v61 =	vmul.f32 s9, v52;
	v60 =	vadd.f32 v57, v56;
	v2 =	vadd.f32 v2, v55;
	[tilespmem:$0x320] =	vst v1  }
0x5b: {  	v50 =	vmul.f32 s9, v14;
	v54 =	vadd.f32 v48, v47;
	v62 =	vadd.f32 v59, v58;
	[tilespmem:$0x330] =	vst v4  }
0x5c: {  	v63 =	vadd.f32 v61, v60;
	[tilespmem:$0x350] =	vst v2  }
0x5d: {  	s30 =	sshll.u32 s1, $0x4;
	v0 =	vadd.f32 v50, v54;
	[tilespmem:$0x360] =	vst v62  }
0x5e: {  	s3 =	sadd.s32 s30, s3;
	[tilespmem:$0x370] =	vst v63  }
0x5f: {  	s3 =	sadd.s32 $0x600, s3;
	s31 =	simm.s32 $0x300;
	[tilespmem:$0x340] =	vst v0  }
0x60: {  	[hbm4b:s3+s2] =	stream.linear.scatter [tilespmem:s31], [sflag:$0x1], $0x80, $0x38;
	[tilespmem:$0x380] =	vst v63  }
0x61: {  	_ =	swait.ge [sflag:s4], $0x80  }
0x62: {  	[sflag:s4] =	ssyncset.done $0x0  }
0x63: {  	[sflag:s4] =	ssyncadd.s32 $0xFFFFFF80  }
0x64: {  	_ =	sfence.sel $0x180000  }
0x65: {  	[bflag:$0x0] =	sbarrier.arrive $0xFFFF  }
0x66: {  	p0 =	sne.s32 s1, $0x0;
	_ =	strace $0x90000047  }
0x67: {  	s0 =	sadd.s32 @!p0 $0x100000, s0;
	[bflag:$0x2] =	sbarrier.arrive $0xFFFF  }
0x68: {  	[sflag:s0] =	ssyncadd.tile.s32 @!p0 $0x1;
	_ =	shalt  }
.Lfunc_end2:
_tile_overlayer_lowered:
.L_overlay_start_2:
0x69: {  	(tag) =	ssettag $0x2  }
0x6a: {  	s0 =	rddreg [dreg:$0x0];
	s2 =	stileid.u32  }
0x6b: {  	s1 =	rddreg [dreg:$0x1];
	p0 =	sne.s32 s2, $0x0  }
0x6c: {  	s3 =	rddreg [dreg:$0x2];
	[bflag:$0x3] =	sbarrier.arrive $0xFFFF;
	s2 =	simm.s32 @!p0 $0x1C02  }
0x6d: {  	[timem:s3], [sflag:s2] =	dma.local @!p0 [hbm:s0], s1  }
0x6e: {  	s0 =	simm.s32 @!p0 $0x2  }
0x6f: {  	_ =	swait.ge @!p0 [sflag:s0], s1  }
0x70: {  	s1 =	ssub.s32 @!p0 $0x0, s1;
	[sflag:s0] =	ssyncset.done @!p0 $0x0  }
0x71: {  	[sflag:s0] =	ssyncadd.s32 @!p0 s1  }
0x72: {  	[bflag:$0x3] =	sbarrier.arrive $0xFFFF  }
0x73: {  	_ =	shalt  }

</sc_bundles>
